<compile_context>
chip_gen: v7x
topology: tpu7x:2x2x1
jax: 0.10.2.dev20260603
libtpu: 0.0.44.dev20260713+nightly
codegen_flags: <defaults>
</compile_context>

<pallas_src>
import functools

import jax
import jax.numpy as jnp
from jax import lax
from jax.experimental import pallas as pl
from jax.experimental.pallas import tpu as pltpu
from jax.experimental.pallas import tpu_sc as plsc

_N = 10000
_E = 320000
_D = 128
_NC = 2
_NS = 16
_NW = _NC * _NS
_CH = 80
_EPW = _E // _NW
_NIT = _EPW // _CH
_GCH = 80
_GN = _EPW // _GCH
_GK = 4
_NPAD = 10240
_RPT = _NPAD // _NS
_ZR = 64
_DPAD = 10240
_DPT = _DPAD // _NS

_L16 = 16


def _vs_mesh():
    return plsc.VectorSubcoreMesh(core_axis_name="c", subcore_axis_name="s")



_DGRP = 5


def _sc_deg_body(dst_hbm, out_hbm, dst_all, ones_v, zero_v, acc_sh, isem, dsem):
    c = lax.axis_index("c")
    s = lax.axis_index("s")
    wid = s * _NC + c

    idx_d = pltpu.async_copy(dst_hbm.at[wid], dst_all, isem)

    for j in range(_CH // _L16):
        ones_v[pl.ds(j * _L16, _L16)] = jnp.ones((_L16,), jnp.float32)

    def zfill(j, carry):
        zero_v[pl.ds(j * _L16, _L16)] = jnp.zeros((_L16,), jnp.float32)
        return carry

    lax.fori_loop(0, _DPT // _L16, zfill, 0)
    pltpu.sync_copy(zero_v, acc_sh.at[pl.ds(s * _DPT, _DPT)])
    idx_d.wait()
    plsc.subcore_barrier()

    def body(j, carry):
        for b in range(_DGRP):
            pltpu.async_copy(ones_v, acc_sh.at[dst_all.at[j * _DGRP + b]],
                             dsem, add=True)
        for b in range(_DGRP):
            pltpu.make_async_copy(ones_v, acc_sh.at[dst_all.at[j * _DGRP + b]],
                                  dsem).wait()
        return carry

    lax.fori_loop(0, _NIT // _DGRP, body, 0)
    plsc.subcore_barrier()
    pltpu.sync_copy(acc_sh.at[pl.ds(s * _DPT, _DPT)],
                    out_hbm.at[c, pl.ds(s * _DPT, _DPT)])


@jax.jit
def _sc_deg(dst3):
    return pl.kernel(
        _sc_deg_body,
        out_type=jax.ShapeDtypeStruct((_NC, _DPAD), jnp.float32),
        mesh=_vs_mesh(),
        scratch_types=[
            pltpu.VMEM((_NIT, _CH), jnp.int32),
            pltpu.VMEM((_CH,), jnp.float32),
            pltpu.VMEM((_DPT,), jnp.float32),
            pltpu.VMEM_SHARED((_DPAD,), jnp.float32),
            pltpu.SemaphoreType.DMA,
            pltpu.SemaphoreType.DMA,
        ],
    )(dst3)



def _sc_gs_body(hs_hbm, src_hbm, dst_hbm, out_hbm, *scr):
    rows = scr[0:_GK]
    sidx = scr[_GK:2 * _GK]
    didx = scr[2 * _GK:3 * _GK]
    acc_sh = scr[3 * _GK]
    ssem = scr[3 * _GK + 1:4 * _GK + 1]
    dsem = scr[4 * _GK + 1:5 * _GK + 1]
    gsem = scr[5 * _GK + 1:6 * _GK + 1]

    c = lax.axis_index("c")
    s = lax.axis_index("s")
    wid = s * _NC + c
    ebase = wid * _EPW

    def p_idx(i, sl):
        pltpu.async_copy(src_hbm.at[pl.ds(ebase + i * _GCH, _GCH)],
                         sidx[sl], ssem[sl])
        pltpu.async_copy(dst_hbm.at[pl.ds(ebase + i * _GCH, _GCH)],
                         didx[sl], dsem[sl])

    def p_gather(i, sl):
        pltpu.make_async_copy(src_hbm.at[pl.ds(ebase + i * _GCH, _GCH)],
                              sidx[sl], ssem[sl]).wait()
        pltpu.async_copy(hs_hbm.at[sidx[sl].at[pl.ds(0, _GCH)]],
                         rows[sl], gsem[sl])

    def p_consume(i, sl):
        pltpu.make_async_copy(hs_hbm.at[sidx[sl].at[pl.ds(0, _GCH)]],
                              rows[sl], gsem[sl]).wait()
        pltpu.make_async_copy(dst_hbm.at[pl.ds(ebase + i * _GCH, _GCH)],
                              didx[sl], dsem[sl]).wait()
        pltpu.sync_copy(rows[sl], acc_sh.at[didx[sl].at[pl.ds(0, _GCH)]],
                        add=True)

    for i in range(_GK - 1):
        p_idx(i, i)

    def zrow(i, carry):
        def zcol(j, carry2):
            rows[0][i, pl.ds(j * _L16, _L16)] = jnp.zeros((_L16,), jnp.float32)
            return carry2
        return lax.fori_loop(0, _D // _L16, zcol, carry)

    lax.fori_loop(0, _GCH, zrow, 0)
    for k in range(_RPT // _GCH):
        pltpu.sync_copy(rows[0], acc_sh.at[pl.ds(s * _RPT + k * _GCH, _GCH)])
    plsc.subcore_barrier()

    p_gather(0, 0)
    p_gather(1, 1)

    def body(j, carry):
        i = j * _GK
        for t in range(_GK):
            p_idx(i + t + _GK - 1, (t + _GK - 1) % _GK)
            p_gather(i + t + 2, (t + 2) % _GK)
            p_consume(i + t, t)
        return carry

    lax.fori_loop(0, _GN // _GK - 1, body, 0)
    b = (_GN // _GK - 1) * _GK
    p_idx(b + 3, (b + 3) % _GK)
    p_gather(b + 2, (b + 2) % _GK)
    p_consume(b, b % _GK)
    p_idx(b + 4, (b + 4) % _GK)
    p_gather(b + 3, (b + 3) % _GK)
    p_consume(b + 1, (b + 1) % _GK)
    p_gather(b + 4, (b + 4) % _GK)
    p_consume(b + 2, (b + 2) % _GK)
    p_consume(b + 3, (b + 3) % _GK)
    p_consume(b + 4, (b + 4) % _GK)

    plsc.subcore_barrier()
    pltpu.sync_copy(acc_sh.at[pl.ds(s * _RPT, _RPT)],
                    out_hbm.at[c, pl.ds(s * _RPT, _RPT)])


@jax.jit
def _sc_gs(hs, src3, dst3):
    return pl.kernel(
        _sc_gs_body,
        out_type=jax.ShapeDtypeStruct((_NC, _NPAD, _D), jnp.float32),
        mesh=_vs_mesh(),
        scratch_types=(
            [pltpu.VMEM((_GCH, _D), jnp.float32) for _ in range(_GK)]
            + [pltpu.VMEM((_GCH,), jnp.int32) for _ in range(2 * _GK)]
            + [pltpu.VMEM_SHARED((_NPAD, _D), jnp.float32)]
            + [pltpu.SemaphoreType.DMA for _ in range(3 * _GK)]
        ),
    )(hs, src3, dst3)



_BLK = 1000
_GRID = _N // _BLK


def _tc1_body(deg_ref, x_ref, w_ref, dis_ref, hs_ref):
    deg = deg_ref[0] + deg_ref[1]
    dis = jnp.where(deg > 0, lax.rsqrt(jnp.maximum(deg, 1.0)), 0.0)
    dis_ref[...] = dis
    hs_ref[...] = jnp.dot(x_ref[...], w_ref[...],
                          preferred_element_type=jnp.float32) * dis


@jax.jit
def _tc1(deg3, x, w1):
    return pl.pallas_call(
        _tc1_body,
        grid=(_GRID,),
        in_specs=[
            pl.BlockSpec((_NC, _BLK, 1), lambda i: (0, i, 0)),
            pl.BlockSpec((_BLK, _D), lambda i: (i, 0)),
            pl.BlockSpec((_D, _D), lambda i: (0, 0)),
        ],
        out_specs=[
            pl.BlockSpec((_BLK, 1), lambda i: (i, 0)),
            pl.BlockSpec((_BLK, _D), lambda i: (i, 0)),
        ],
        out_shape=[
            jax.ShapeDtypeStruct((_N, 1), jnp.float32),
            jax.ShapeDtypeStruct((_N, _D), jnp.float32),
        ],
    )(deg3, x, w1)


def _tc2_body(agg_ref, dis_ref, b_ref, w_ref, hs_ref):
    dis = dis_ref[...]
    h = jnp.maximum(dis * (agg_ref[0] + agg_ref[1]) + b_ref[...], 0.0)
    hs_ref[...] = jnp.dot(h, w_ref[...],
                          preferred_element_type=jnp.float32) * dis


@jax.jit
def _tc2(agg, dis, b1, w2):
    return pl.pallas_call(
        _tc2_body,
        grid=(_GRID,),
        in_specs=[
            pl.BlockSpec((_NC, _BLK, _D), lambda i: (0, i, 0)),
            pl.BlockSpec((_BLK, 1), lambda i: (i, 0)),
            pl.BlockSpec((1, _D), lambda i: (0, 0)),
            pl.BlockSpec((_D, _D), lambda i: (0, 0)),
        ],
        out_specs=pl.BlockSpec((_BLK, _D), lambda i: (i, 0)),
        out_shape=jax.ShapeDtypeStruct((_N, _D), jnp.float32),
    )(agg, dis, b1, w2)


def _tc3_body(agg_ref, dis_ref, b_ref, out_ref):
    out_ref[...] = dis_ref[...] * (agg_ref[0] + agg_ref[1]) + b_ref[...]


@jax.jit
def _tc3(agg, dis, b2):
    return pl.pallas_call(
        _tc3_body,
        grid=(_GRID,),
        in_specs=[
            pl.BlockSpec((_NC, _BLK, _D), lambda i: (0, i, 0)),
            pl.BlockSpec((_BLK, 1), lambda i: (i, 0)),
            pl.BlockSpec((1, _D), lambda i: (0, 0)),
        ],
        out_specs=pl.BlockSpec((_BLK, _D), lambda i: (i, 0)),
        out_shape=jax.ShapeDtypeStruct((_N, _D), jnp.float32),
    )(agg, dis, b2)



def kernel(x, edge_index, W1, b1, W2, b2):
    src = edge_index[0]
    dst = edge_index[1]
    dst3 = dst.reshape(_NW, _NIT, _CH)
    deg_parts = _sc_deg(dst3)
    deg3 = deg_parts.reshape(_NC, _DPAD, 1)
    dis, hs1 = _tc1(deg3, x, W1)
    agg1 = _sc_gs(hs1, src, dst)
    hs2 = _tc2(agg1, dis, b1.reshape(1, _D), W2)
    agg2 = _sc_gs(hs2, src, dst)
    return _tc3(agg2, dis, b2.reshape(1, _D))

# --- scband reference (transcript-rebuilt; emitter-appended) ---
"""Pipeline reference for scband-net-87540023427759 (READ-ONLY COPY).

The authoritative reference and input builder live on the scoring server;
editing this copy changes nothing except your own understanding.
"""

import jax, jax.numpy as jnp
import numpy as np

N_NODES = 10000
N_EDGES = 320000
D_FEAT = 128


def setup_inputs(seed: int = 0) -> dict:
    key = jax.random.key(seed)
    k1, k2, k3, k4, k5, k6 = jax.random.split(key, 6)
    x = jax.random.normal(k1, (N_NODES, D_FEAT), dtype=jnp.float32)
    edge_index = jax.random.randint(k2, (2, N_EDGES), 0, N_NODES, dtype=jnp.int32)
    scale = 1.0 / np.sqrt(D_FEAT)
    W1 = jax.random.normal(k3, (D_FEAT, D_FEAT), dtype=jnp.float32) * scale
    b1 = jnp.zeros((D_FEAT,), dtype=jnp.float32)
    W2 = jax.random.normal(k4, (D_FEAT, D_FEAT), dtype=jnp.float32) * scale
    b2 = jnp.zeros((D_FEAT,), dtype=jnp.float32)
    return {"x": x, "edge_index": edge_index, "W1": W1, "b1": b1, "W2": W2, "b2": b2}


def _gcn_layer(h, src, dst, W, b, norm):
    # linear transform then normalized gather -> scatter-add aggregation (GCNConv)
    h = h @ W
    msg = h[src] * norm[:, None]            # gather over src nodes
    agg = jnp.zeros_like(h).at[dst].add(msg)  # scatter-add over dst nodes
    return agg + b


def reference(x, edge_index, W1, b1, W2, b2):
    src = edge_index[0]
    dst = edge_index[1]
    n = x.shape[0]
    ones = jnp.ones((src.shape[0],), dtype=x.dtype)
    deg = jnp.zeros((n,), dtype=x.dtype).at[dst].add(ones)
    deg_inv_sqrt = jnp.where(deg > 0, 1.0 / jnp.sqrt(jnp.maximum(deg, 1.0)), 0.0)
    norm = deg_inv_sqrt[src] * deg_inv_sqrt[dst]  # symmetric GCN normalization
    h = _gcn_layer(x, src, dst, W1, b1, norm)
    h = jax.nn.relu(h)
    h = _gcn_layer(h, src, dst, W2, b2, norm)
    return h

if __name__ == "__main__":
    import jax
    _d = setup_inputs()
    print(jax.jit(kernel)(*tuple(_d.values())))

</pallas_src>

<mosaic_0001>
#map = affine_map<(d0, d1) -> (0, 0, 0)>
#map1 = affine_map<(d0, d1) -> (0, 0)>
module attributes {stable_mosaic.version = 14 : i64} {
  func.func @_sc_deg_body(%arg0: i32, %arg1: i32, %arg2: memref<32x125x80xi32, #tpu.memory_space<hbm>>, %arg3: memref<2x10240xf32, #tpu.memory_space<hbm>>, %arg4: memref<125x80xi32, #tpu.memory_space<vmem>>, %arg5: memref<80xf32, #tpu.memory_space<vmem>>, %arg6: memref<640xf32, #tpu.memory_space<vmem>>, %arg7: memref<10240xf32, #tpu.memory_space<vmem_shared>>, %arg8: memref<!tpu.dma_semaphore, #tpu.memory_space<semaphore_mem>>, %arg9: memref<!tpu.dma_semaphore, #tpu.memory_space<semaphore_mem>>) attributes {dimension_semantics = [#tpu.dimension_semantics<core_parallel>, #tpu.dimension_semantics<subcore_parallel>], iteration_bounds = array<i64: 2, 16>, scalar_prefetch = 0 : i64, scratch_operands = 6 : i64, tpu.core_type = #tpu.core_type<sc_vector_subcore>, window_params = [{transform_indices = #map}, {transform_indices = #map1}]} {
    %mul3A = arith.constant 2 : i32
    %mul3A_0 = arith.muli %arg1, %mul3A : i32
    %add3A = arith.addi %mul3A_0, %arg0 : i32
    %dma_start3A = arith.constant 0 : i32
    %dma_start3A_1 = arith.constant 0 : i32
    %dma_start3A_2 = tpu.memref_slice %arg2[%add3A, %dma_start3A, %dma_start3A_1] : memref<32x125x80xi32, #tpu.memory_space<hbm>> -> memref<1x125x80xi32, #tpu.memory_space<hbm>>
    %dma_start3A_3 = tpu.memref_squeeze %dma_start3A_2 : memref<1x125x80xi32, #tpu.memory_space<hbm>> -> memref<125x80xi32, #tpu.memory_space<hbm>>
    %dma_start3A_4 = arith.constant 0 : i32
    %dma_start3A_5 = arith.constant 0 : i32
    %dma_start3A_6 = tpu.memref_slice %arg2[%add3A, %dma_start3A_4, %dma_start3A_5] : memref<32x125x80xi32, #tpu.memory_space<hbm>> -> memref<1x125x80xi32, #tpu.memory_space<hbm>>
    %dma_start3A_7 = tpu.memref_squeeze %dma_start3A_6 : memref<1x125x80xi32, #tpu.memory_space<hbm>> -> memref<125x80xi32, #tpu.memory_space<hbm>>
    tpu.enqueue_dma source(%dma_start3A_7 : memref<125x80xi32, #tpu.memory_space<hbm>>) target(%arg4 : memref<125x80xi32, #tpu.memory_space<vmem>>) target_semaphore(%arg8 : memref<!tpu.dma_semaphore, #tpu.memory_space<semaphore_mem>>)
    %broadcast_in_dim3A = arith.constant 1.000000e+00 : f32
    %broadcast_in_dim3A_8 = vector.broadcast %broadcast_in_dim3A : f32 to vector<16xf32>
    %swap3A = arith.constant 0 : index
    %swap3A_9 = tpu.vector_load %arg5[%swap3A] {strides = array<i32>} : memref<80xf32, #tpu.memory_space<vmem>>, vector<16xf32>,
    %swap3A_10 = vector.shape_cast %swap3A_9 : vector<16xf32> to vector<16xf32>
    %swap3A_11 = vector.shape_cast %broadcast_in_dim3A_8 : vector<16xf32> to vector<16xf32>
    tpu.vector_store %arg5[%swap3A], %swap3A_11 {strides = array<i32>} : memref<80xf32, #tpu.memory_space<vmem>>, vector<16xf32>,
    %broadcast_in_dim3A_12 = arith.constant 1.000000e+00 : f32
    %broadcast_in_dim3A_13 = vector.broadcast %broadcast_in_dim3A_12 : f32 to vector<16xf32>
    %swap3A_14 = arith.constant 16 : index
    %swap3A_15 = tpu.vector_load %arg5[%swap3A_14] {strides = array<i32>} : memref<80xf32, #tpu.memory_space<vmem>>, vector<16xf32>,
    %swap3A_16 = vector.shape_cast %swap3A_15 : vector<16xf32> to vector<16xf32>
    %swap3A_17 = vector.shape_cast %broadcast_in_dim3A_13 : vector<16xf32> to vector<16xf32>
    tpu.vector_store %arg5[%swap3A_14], %swap3A_17 {strides = array<i32>} : memref<80xf32, #tpu.memory_space<vmem>>, vector<16xf32>,
    %broadcast_in_dim3A_18 = arith.constant 1.000000e+00 : f32
    %broadcast_in_dim3A_19 = vector.broadcast %broadcast_in_dim3A_18 : f32 to vector<16xf32>
    %swap3A_20 = arith.constant 32 : index
    %swap3A_21 = tpu.vector_load %arg5[%swap3A_20] {strides = array<i32>} : memref<80xf32, #tpu.memory_space<vmem>>, vector<16xf32>,
    %swap3A_22 = vector.shape_cast %swap3A_21 : vector<16xf32> to vector<16xf32>
    %swap3A_23 = vector.shape_cast %broadcast_in_dim3A_19 : vector<16xf32> to vector<16xf32>
    tpu.vector_store %arg5[%swap3A_20], %swap3A_23 {strides = array<i32>} : memref<80xf32, #tpu.memory_space<vmem>>, vector<16xf32>,
    %broadcast_in_dim3A_24 = arith.constant 1.000000e+00 : f32
    %broadcast_in_dim3A_25 = vector.broadcast %broadcast_in_dim3A_24 : f32 to vector<16xf32>
    %swap3A_26 = arith.constant 48 : index
    %swap3A_27 = tpu.vector_load %arg5[%swap3A_26] {strides = array<i32>} : memref<80xf32, #tpu.memory_space<vmem>>, vector<16xf32>,
    %swap3A_28 = vector.shape_cast %swap3A_27 : vector<16xf32> to vector<16xf32>
    %swap3A_29 = vector.shape_cast %broadcast_in_dim3A_25 : vector<16xf32> to vector<16xf32>
    tpu.vector_store %arg5[%swap3A_26], %swap3A_29 {strides = array<i32>} : memref<80xf32, #tpu.memory_space<vmem>>, vector<16xf32>,
    %broadcast_in_dim3A_30 = arith.constant 1.000000e+00 : f32
    %broadcast_in_dim3A_31 = vector.broadcast %broadcast_in_dim3A_30 : f32 to vector<16xf32>
    %swap3A_32 = arith.constant 64 : index
    %swap3A_33 = tpu.vector_load %arg5[%swap3A_32] {strides = array<i32>} : memref<80xf32, #tpu.memory_space<vmem>>, vector<16xf32>,
    %swap3A_34 = vector.shape_cast %swap3A_33 : vector<16xf32> to vector<16xf32>
    %swap3A_35 = vector.shape_cast %broadcast_in_dim3A_31 : vector<16xf32> to vector<16xf32>
    tpu.vector_store %arg5[%swap3A_32], %swap3A_35 {strides = array<i32>} : memref<80xf32, #tpu.memory_space<vmem>>, vector<16xf32>,
    %scan3A = arith.constant 0 : i32
    %scan3A_36 = arith.constant 0 : i32
    %scan3A_37 = arith.constant 40 : i32
    %scan3A_38 = arith.addi %scan3A_36, %scan3A_37 : i32
    %scan3A_39 = arith.constant 1 : i32
    scf.for %scan3A_61 = %scan3A_36 to %scan3A_38 step %scan3A_39  : i32 {
      %broadcast_in_dim3A_62 = arith.constant 0.000000e+00 : f32
      %broadcast_in_dim3A_63 = vector.broadcast %broadcast_in_dim3A_62 : f32 to vector<16xf32>
      %mul3A_64 = arith.constant 16 : i32
      %mul3A_65 = arith.muli %scan3A_61, %mul3A_64 : i32
      %swap3A_66 = arith.index_cast %mul3A_65 : i32 to index
      %swap3A_67 = tpu.vector_load %arg6[%swap3A_66] {strides = array<i32>} : memref<640xf32, #tpu.memory_space<vmem>>, vector<16xf32>,
      %swap3A_68 = vector.shape_cast %swap3A_67 : vector<16xf32> to vector<16xf32>
      %swap3A_69 = vector.shape_cast %broadcast_in_dim3A_63 : vector<16xf32> to vector<16xf32>
      tpu.vector_store %arg6[%swap3A_66], %swap3A_69 {strides = array<i32>} : memref<640xf32, #tpu.memory_space<vmem>>, vector<16xf32>,
    }
    %scan3A_40 = arith.constant 40 : i32
    %mul3A_41 = arith.constant 640 : i32
    %mul3A_42 = arith.muli %arg1, %mul3A_41 : i32
    "tpu.region"() ({
      %run_scoped3A = tpu.sem_alloc : memref<!tpu.dma_semaphore, #tpu.memory_space<semaphore_mem>>
      %dma_start3A_61 = tpu.memref_slice %arg7[%mul3A_42] : memref<10240xf32, #tpu.memory_space<vmem_shared>> -> memref<640xf32, #tpu.memory_space<vmem_shared>>
      %dma_start3A_62 = tpu.memref_slice %arg7[%mul3A_42] : memref<10240xf32, #tpu.memory_space<vmem_shared>> -> memref<640xf32, #tpu.memory_space<vmem_shared>>
      tpu.enqueue_dma source(%arg6 : memref<640xf32, #tpu.memory_space<vmem>>) target(%dma_start3A_62 : memref<640xf32, #tpu.memory_space<vmem_shared>>) target_semaphore(%run_scoped3A : memref<!tpu.dma_semaphore, #tpu.memory_space<semaphore_mem>>)
      %dma_wait3A_63 = tpu.memref_slice %arg7[%mul3A_42] : memref<10240xf32, #tpu.memory_space<vmem_shared>> -> memref<640xf32, #tpu.memory_space<vmem_shared>>
      %dma_wait3A_64 = tpu.memref_slice %arg7[%mul3A_42] : memref<10240xf32, #tpu.memory_space<vmem_shared>> -> memref<640xf32, #tpu.memory_space<vmem_shared>>
      tpu.wait_dma2 semaphore(%run_scoped3A : memref<!tpu.dma_semaphore, #tpu.memory_space<semaphore_mem>>) src(%arg6 : memref<640xf32, #tpu.memory_space<vmem>>) dst(%dma_wait3A_64 : memref<640xf32, #tpu.memory_space<vmem_shared>>)
      tpu.yield
    }) : () -> ()
    %dma_wait3A = arith.constant 0 : i32
    %dma_wait3A_43 = arith.constant 0 : i32
    %dma_wait3A_44 = tpu.memref_slice %arg2[%add3A, %dma_wait3A, %dma_wait3A_43] : memref<32x125x80xi32, #tpu.memory_space<hbm>> -> memref<1x125x80xi32, #tpu.memory_space<hbm>>
    %dma_wait3A_45 = tpu.memref_squeeze %dma_wait3A_44 : memref<1x125x80xi32, #tpu.memory_space<hbm>> -> memref<125x80xi32, #tpu.memory_space<hbm>>
    %dma_wait3A_46 = arith.constant 0 : i32
    %dma_wait3A_47 = arith.constant 0 : i32
    %dma_wait3A_48 = tpu.memref_slice %arg2[%add3A, %dma_wait3A_46, %dma_wait3A_47] : memref<32x125x80xi32, #tpu.memory_space<hbm>> -> memref<1x125x80xi32, #tpu.memory_space<hbm>>
    %dma_wait3A_49 = tpu.memref_squeeze %dma_wait3A_48 : memref<1x125x80xi32, #tpu.memory_space<hbm>> -> memref<125x80xi32, #tpu.memory_space<hbm>>
    tpu.wait_dma2 semaphore(%arg8 : memref<!tpu.dma_semaphore, #tpu.memory_space<semaphore_mem>>) src(%dma_wait3A_49 : memref<125x80xi32, #tpu.memory_space<hbm>>) dst(%arg4 : memref<125x80xi32, #tpu.memory_space<vmem>>)
    %barrier3A = arith.constant 0 : index
    tpu.barrier barrier_id(%barrier3A)
    %scan3A_50 = arith.constant 0 : i32
    %scan3A_51 = arith.constant 0 : i32
    %scan3A_52 = arith.constant 25 : i32
    %scan3A_53 = arith.addi %scan3A_51, %scan3A_52 : i32
    %scan3A_54 = arith.constant 1 : i32
    scf.for %scan3A_61 = %scan3A_51 to %scan3A_53 step %scan3A_54  : i32 {
      %mul3A_62 = arith.constant 5 : i32
      %mul3A_63 = arith.muli %scan3A_61, %mul3A_62 : i32
      %add3A_64 = arith.constant 0 : i32
      %add3A_65 = arith.addi %mul3A_63, %add3A_64 : i32
      %dma_start3A_66 = arith.constant 0 : i32
      %dma_start3A_67 = tpu.memref_slice %arg4[%add3A_65, %dma_start3A_66] : memref<125x80xi32, #tpu.memory_space<vmem>> -> memref<1x80xi32, #tpu.memory_space<vmem>>
      %dma_start3A_68 = tpu.memref_squeeze %dma_start3A_67 : memref<1x80xi32, #tpu.memory_space<vmem>> -> memref<80xi32, #tpu.memory_space<vmem>>
      %dma_start3A_69 = arith.constant 0 : i32
      %dma_start3A_70 = tpu.memref_slice %arg7[%dma_start3A_69] : memref<10240xf32, #tpu.memory_space<vmem_shared>> -> memref<10240xf32, #tpu.memory_space<vmem_shared>>
      tpu.enqueue_indirect_dma source(%arg5 : memref<80xf32, #tpu.memory_space<vmem>>) target(%dma_start3A_70 : memref<10240xf32, #tpu.memory_space<vmem_shared>>) offsets(%dma_start3A_68 : memref<80xi32, #tpu.memory_space<vmem>>) semaphore(%arg9 : memref<!tpu.dma_semaphore, #tpu.memory_space<semaphore_mem>>) {add = true}
      %mul3A_71 = arith.constant 5 : i32
      %mul3A_72 = arith.muli %scan3A_61, %mul3A_71 : i32
      %add3A_73 = arith.constant 1 : i32
      %add3A_74 = arith.addi %mul3A_72, %add3A_73 : i32
      %dma_start3A_75 = arith.constant 0 : i32
      %dma_start3A_76 = tpu.memref_slice %arg4[%add3A_74, %dma_start3A_75] : memref<125x80xi32, #tpu.memory_space<vmem>> -> memref<1x80xi32, #tpu.memory_space<vmem>>
      %dma_start3A_77 = tpu.memref_squeeze %dma_start3A_76 : memref<1x80xi32, #tpu.memory_space<vmem>> -> memref<80xi32, #tpu.memory_space<vmem>>
      %dma_start3A_78 = arith.constant 0 : i32
      %dma_start3A_79 = tpu.memref_slice %arg7[%dma_start3A_78] : memref<10240xf32, #tpu.memory_space<vmem_shared>> -> memref<10240xf32, #tpu.memory_space<vmem_shared>>
      tpu.enqueue_indirect_dma source(%arg5 : memref<80xf32, #tpu.memory_space<vmem>>) target(%dma_start3A_79 : memref<10240xf32, #tpu.memory_space<vmem_shared>>) offsets(%dma_start3A_77 : memref<80xi32, #tpu.memory_space<vmem>>) semaphore(%arg9 : memref<!tpu.dma_semaphore, #tpu.memory_space<semaphore_mem>>) {add = true}
      %mul3A_80 = arith.constant 5 : i32
      %mul3A_81 = arith.muli %scan3A_61, %mul3A_80 : i32
      %add3A_82 = arith.constant 2 : i32
      %add3A_83 = arith.addi %mul3A_81, %add3A_82 : i32
      %dma_start3A_84 = arith.constant 0 : i32
      %dma_start3A_85 = tpu.memref_slice %arg4[%add3A_83, %dma_start3A_84] : memref<125x80xi32, #tpu.memory_space<vmem>> -> memref<1x80xi32, #tpu.memory_space<vmem>>
      %dma_start3A_86 = tpu.memref_squeeze %dma_start3A_85 : memref<1x80xi32, #tpu.memory_space<vmem>> -> memref<80xi32, #tpu.memory_space<vmem>>
      %dma_start3A_87 = arith.constant 0 : i32
      %dma_start3A_88 = tpu.memref_slice %arg7[%dma_start3A_87] : memref<10240xf32, #tpu.memory_space<vmem_shared>> -> memref<10240xf32, #tpu.memory_space<vmem_shared>>
      tpu.enqueue_indirect_dma source(%arg5 : memref<80xf32, #tpu.memory_space<vmem>>) target(%dma_start3A_88 : memref<10240xf32, #tpu.memory_space<vmem_shared>>) offsets(%dma_start3A_86 : memref<80xi32, #tpu.memory_space<vmem>>) semaphore(%arg9 : memref<!tpu.dma_semaphore, #tpu.memory_space<semaphore_mem>>) {add = true}
      %mul3A_89 = arith.constant 5 : i32
      %mul3A_90 = arith.muli %scan3A_61, %mul3A_89 : i32
      %add3A_91 = arith.constant 3 : i32
      %add3A_92 = arith.addi %mul3A_90, %add3A_91 : i32
      %dma_start3A_93 = arith.constant 0 : i32
      %dma_start3A_94 = tpu.memref_slice %arg4[%add3A_92, %dma_start3A_93] : memref<125x80xi32, #tpu.memory_space<vmem>> -> memref<1x80xi32, #tpu.memory_space<vmem>>
      %dma_start3A_95 = tpu.memref_squeeze %dma_start3A_94 : memref<1x80xi32, #tpu.memory_space<vmem>> -> memref<80xi32, #tpu.memory_space<vmem>>
      %dma_start3A_96 = arith.constant 0 : i32
      %dma_start3A_97 = tpu.memref_slice %arg7[%dma_start3A_96] : memref<10240xf32, #tpu.memory_space<vmem_shared>> -> memref<10240xf32, #tpu.memory_space<vmem_shared>>
      tpu.enqueue_indirect_dma source(%arg5 : memref<80xf32, #tpu.memory_space<vmem>>) target(%dma_start3A_97 : memref<10240xf32, #tpu.memory_space<vmem_shared>>) offsets(%dma_start3A_95 : memref<80xi32, #tpu.memory_space<vmem>>) semaphore(%arg9 : memref<!tpu.dma_semaphore, #tpu.memory_space<semaphore_mem>>) {add = true}
      %mul3A_98 = arith.constant 5 : i32
      %mul3A_99 = arith.muli %scan3A_61, %mul3A_98 : i32
      %add3A_100 = arith.constant 4 : i32
      %add3A_101 = arith.addi %mul3A_99, %add3A_100 : i32
      %dma_start3A_102 = arith.constant 0 : i32
      %dma_start3A_103 = tpu.memref_slice %arg4[%add3A_101, %dma_start3A_102] : memref<125x80xi32, #tpu.memory_space<vmem>> -> memref<1x80xi32, #tpu.memory_space<vmem>>
      %dma_start3A_104 = tpu.memref_squeeze %dma_start3A_103 : memref<1x80xi32, #tpu.memory_space<vmem>> -> memref<80xi32, #tpu.memory_space<vmem>>
      %dma_start3A_105 = arith.constant 0 : i32
      %dma_start3A_106 = tpu.memref_slice %arg7[%dma_start3A_105] : memref<10240xf32, #tpu.memory_space<vmem_shared>> -> memref<10240xf32, #tpu.memory_space<vmem_shared>>
      tpu.enqueue_indirect_dma source(%arg5 : memref<80xf32, #tpu.memory_space<vmem>>) target(%dma_start3A_106 : memref<10240xf32, #tpu.memory_space<vmem_shared>>) offsets(%dma_start3A_104 : memref<80xi32, #tpu.memory_space<vmem>>) semaphore(%arg9 : memref<!tpu.dma_semaphore, #tpu.memory_space<semaphore_mem>>) {add = true}
      %mul3A_107 = arith.constant 5 : i32
      %mul3A_108 = arith.muli %scan3A_61, %mul3A_107 : i32
      %add3A_109 = arith.constant 0 : i32
      %add3A_110 = arith.addi %mul3A_108, %add3A_109 : i32
      %dma_wait3A_111 = arith.constant 0 : i32
      %dma_wait3A_112 = tpu.memref_slice %arg4[%add3A_110, %dma_wait3A_111] : memref<125x80xi32, #tpu.memory_space<vmem>> -> memref<1x80xi32, #tpu.memory_space<vmem>>
      %dma_wait3A_113 = tpu.memref_squeeze %dma_wait3A_112 : memref<1x80xi32, #tpu.memory_space<vmem>> -> memref<80xi32, #tpu.memory_space<vmem>>
      %dma_wait3A_114 = arith.constant 0 : i32
      %dma_wait3A_115 = tpu.memref_slice %arg7[%dma_wait3A_114] : memref<10240xf32, #tpu.memory_space<vmem_shared>> -> memref<10240xf32, #tpu.memory_space<vmem_shared>>
      tpu.wait_indirect_dma semaphore(%arg9 : memref<!tpu.dma_semaphore, #tpu.memory_space<semaphore_mem>>) src(%arg5 : memref<80xf32, #tpu.memory_space<vmem>>) dst(%dma_wait3A_115 : memref<10240xf32, #tpu.memory_space<vmem_shared>>)
      %mul3A_116 = arith.constant 5 : i32
      %mul3A_117 = arith.muli %scan3A_61, %mul3A_116 : i32
      %add3A_118 = arith.constant 1 : i32
      %add3A_119 = arith.addi %mul3A_117, %add3A_118 : i32
      %dma_wait3A_120 = arith.constant 0 : i32
      %dma_wait3A_121 = tpu.memref_slice %arg4[%add3A_119, %dma_wait3A_120] : memref<125x80xi32, #tpu.memory_space<vmem>> -> memref<1x80xi32, #tpu.memory_space<vmem>>
      %dma_wait3A_122 = tpu.memref_squeeze %dma_wait3A_121 : memref<1x80xi32, #tpu.memory_space<vmem>> -> memref<80xi32, #tpu.memory_space<vmem>>
      %dma_wait3A_123 = arith.constant 0 : i32
      %dma_wait3A_124 = tpu.memref_slice %arg7[%dma_wait3A_123] : memref<10240xf32, #tpu.memory_space<vmem_shared>> -> memref<10240xf32, #tpu.memory_space<vmem_shared>>
      tpu.wait_indirect_dma semaphore(%arg9 : memref<!tpu.dma_semaphore, #tpu.memory_space<semaphore_mem>>) src(%arg5 : memref<80xf32, #tpu.memory_space<vmem>>) dst(%dma_wait3A_124 : memref<10240xf32, #tpu.memory_space<vmem_shared>>)
      %mul3A_125 = arith.constant 5 : i32
      %mul3A_126 = arith.muli %scan3A_61, %mul3A_125 : i32
      %add3A_127 = arith.constant 2 : i32
      %add3A_128 = arith.addi %mul3A_126, %add3A_127 : i32
      %dma_wait3A_129 = arith.constant 0 : i32
      %dma_wait3A_130 = tpu.memref_slice %arg4[%add3A_128, %dma_wait3A_129] : memref<125x80xi32, #tpu.memory_space<vmem>> -> memref<1x80xi32, #tpu.memory_space<vmem>>
      %dma_wait3A_131 = tpu.memref_squeeze %dma_wait3A_130 : memref<1x80xi32, #tpu.memory_space<vmem>> -> memref<80xi32, #tpu.memory_space<vmem>>
      %dma_wait3A_132 = arith.constant 0 : i32
      %dma_wait3A_133 = tpu.memref_slice %arg7[%dma_wait3A_132] : memref<10240xf32, #tpu.memory_space<vmem_shared>> -> memref<10240xf32, #tpu.memory_space<vmem_shared>>
      tpu.wait_indirect_dma semaphore(%arg9 : memref<!tpu.dma_semaphore, #tpu.memory_space<semaphore_mem>>) src(%arg5 : memref<80xf32, #tpu.memory_space<vmem>>) dst(%dma_wait3A_133 : memref<10240xf32, #tpu.memory_space<vmem_shared>>)
      %mul3A_134 = arith.constant 5 : i32
      %mul3A_135 = arith.muli %scan3A_61, %mul3A_134 : i32
      %add3A_136 = arith.constant 3 : i32
      %add3A_137 = arith.addi %mul3A_135, %add3A_136 : i32
      %dma_wait3A_138 = arith.constant 0 : i32
      %dma_wait3A_139 = tpu.memref_slice %arg4[%add3A_137, %dma_wait3A_138] : memref<125x80xi32, #tpu.memory_space<vmem>> -> memref<1x80xi32, #tpu.memory_space<vmem>>
      %dma_wait3A_140 = tpu.memref_squeeze %dma_wait3A_139 : memref<1x80xi32, #tpu.memory_space<vmem>> -> memref<80xi32, #tpu.memory_space<vmem>>
      %dma_wait3A_141 = arith.constant 0 : i32
      %dma_wait3A_142 = tpu.memref_slice %arg7[%dma_wait3A_141] : memref<10240xf32, #tpu.memory_space<vmem_shared>> -> memref<10240xf32, #tpu.memory_space<vmem_shared>>
      tpu.wait_indirect_dma semaphore(%arg9 : memref<!tpu.dma_semaphore, #tpu.memory_space<semaphore_mem>>) src(%arg5 : memref<80xf32, #tpu.memory_space<vmem>>) dst(%dma_wait3A_142 : memref<10240xf32, #tpu.memory_space<vmem_shared>>)
      %mul3A_143 = arith.constant 5 : i32
      %mul3A_144 = arith.muli %scan3A_61, %mul3A_143 : i32
      %add3A_145 = arith.constant 4 : i32
      %add3A_146 = arith.addi %mul3A_144, %add3A_145 : i32
      %dma_wait3A_147 = arith.constant 0 : i32
      %dma_wait3A_148 = tpu.memref_slice %arg4[%add3A_146, %dma_wait3A_147] : memref<125x80xi32, #tpu.memory_space<vmem>> -> memref<1x80xi32, #tpu.memory_space<vmem>>
      %dma_wait3A_149 = tpu.memref_squeeze %dma_wait3A_148 : memref<1x80xi32, #tpu.memory_space<vmem>> -> memref<80xi32, #tpu.memory_space<vmem>>
      %dma_wait3A_150 = arith.constant 0 : i32
      %dma_wait3A_151 = tpu.memref_slice %arg7[%dma_wait3A_150] : memref<10240xf32, #tpu.memory_space<vmem_shared>> -> memref<10240xf32, #tpu.memory_space<vmem_shared>>
      tpu.wait_indirect_dma semaphore(%arg9 : memref<!tpu.dma_semaphore, #tpu.memory_space<semaphore_mem>>) src(%arg5 : memref<80xf32, #tpu.memory_space<vmem>>) dst(%dma_wait3A_151 : memref<10240xf32, #tpu.memory_space<vmem_shared>>)
    }
    %scan3A_55 = arith.constant 25 : i32
    %barrier3A_56 = arith.constant 0 : index
    tpu.barrier barrier_id(%barrier3A_56)
    %mul3A_57 = arith.constant 640 : i32
    %mul3A_58 = arith.muli %arg1, %mul3A_57 : i32
    %mul3A_59 = arith.constant 640 : i32
    %mul3A_60 = arith.muli %arg1, %mul3A_59 : i32
    "tpu.region"() ({
      %run_scoped3A = tpu.sem_alloc : memref<!tpu.dma_semaphore, #tpu.memory_space<semaphore_mem>>
      %dma_start3A_61 = tpu.memref_slice %arg3[%arg0, %mul3A_60] : memref<2x10240xf32, #tpu.memory_space<hbm>> -> memref<1x640xf32, #tpu.memory_space<hbm>>
      %dma_start3A_62 = tpu.memref_squeeze %dma_start3A_61 : memref<1x640xf32, #tpu.memory_space<hbm>> -> memref<640xf32, #tpu.memory_space<hbm>>
      %dma_start3A_63 = tpu.memref_slice %arg7[%mul3A_58] : memref<10240xf32, #tpu.memory_space<vmem_shared>> -> memref<640xf32, #tpu.memory_space<vmem_shared>>
      tpu.enqueue_dma source(%dma_start3A_63 : memref<640xf32, #tpu.memory_space<vmem_shared>>) target(%dma_start3A_62 : memref<640xf32, #tpu.memory_space<hbm>>) target_semaphore(%run_scoped3A : memref<!tpu.dma_semaphore, #tpu.memory_space<semaphore_mem>>)
      %dma_wait3A_64 = tpu.memref_slice %arg3[%arg0, %mul3A_60] : memref<2x10240xf32, #tpu.memory_space<hbm>> -> memref<1x640xf32, #tpu.memory_space<hbm>>
      %dma_wait3A_65 = tpu.memref_squeeze %dma_wait3A_64 : memref<1x640xf32, #tpu.memory_space<hbm>> -> memref<640xf32, #tpu.memory_space<hbm>>
      %dma_wait3A_66 = tpu.memref_slice %arg7[%mul3A_58] : memref<10240xf32, #tpu.memory_space<vmem_shared>> -> memref<640xf32, #tpu.memory_space<vmem_shared>>
      tpu.wait_dma2 semaphore(%run_scoped3A : memref<!tpu.dma_semaphore, #tpu.memory_space<semaphore_mem>>) src(%dma_wait3A_66 : memref<640xf32, #tpu.memory_space<vmem_shared>>) dst(%dma_wait3A_65 : memref<640xf32, #tpu.memory_space<hbm>>)
      tpu.yield
    }) : () -> ()
    return
  }
}

</mosaic_0001>

<sc_bundles>
// kernel: _sc_deg.3.cloned.1.call-start
scs
__scs_entry_jumppad:
0x0: {  	(pc) =	sbr.rel $0x88, $3  }
0x1: {  	(tag) =	ssettag $0x0;
	lr =	simm.s32 $0x1  }
0x2: {  	[smem:$0x3FA0] =	sst lr;
	_ =	strace $0xD0000000  }
0x3: {  	_ = 	snop  }
0x4: {  	_ = 	snop  }
0x5: {  	_ = 	snop  }
0x6: {  	_ = 	snop  }
0x7: {  	_ = 	snop  }
__scs_overlays_trampoline_lowered:
0x8: {  	[smem:$0x3FAF] =	sst s0  }
0x9: {  	[smem:$0x3FB0] =	sst s1  }
0xa: {  	[smem:$0x3FB1] =	sst s2  }
0xb: {  	[smem:$0x3FB2] =	sst s3  }
0xc: {  	[smem:$0x3FB3] =	sst s4  }
0xd: {  	[smem:$0x3FB4] =	sst s5  }
0xe: {  	[smem:$0x3FB5] =	sst s6  }
0xf: {  	[smem:$0x3FB6] =	sst s7  }
0x10: {  	[smem:$0x3FB7] =	sst s8  }
0x11: {  	[smem:$0x3FB8] =	sst s9;
	s0 =	simm.s32 @!p0 $0x0  }
0x12: {  	s1 =	sld [smem:$0x3F9E];
	s0 =	simm.s32 @p0 $0x1  }
0x13: {  	[smem:$0x3FB9] =	sst s0;
	s0 =	simm.s32 @!p1 $0x0  }
0x14: {  	s2 =	sld [smem:$0x3F9D];
	s0 =	simm.s32 @p1 $0x1  }
0x15: {  	[smem:$0x3FBA] =	sst s0;
	s0 =	simm.s32 @!p2 $0x0  }
0x16: {  	s3 =	sld [smem:$0x3FDB];
	s0 =	simm.s32 @p2 $0x1  }
0x17: {  	s4 =	simm.s32 $0x1BF5;
	[smem:$0x3FBC] =	sst s0  }
0x18: {  	s0 =	sld [smem:$0x3F9F];
	_ =	swait.ge [sflag:s4], $0x0  }
0x19: {  	s7 =	sld [smem:$0x3FA0]  }
0x1a: {  	s8 =	sadd.s32 $0xFFFFE003, lr  }
0x1b: {  	s9 =	sadd.s32 $0xFFFFFEF7, lr;
	s5 =	simm.s32 $0xFFFFFFFF;
	p2 =	slt.u32 s8, $0xFFFFF086  }
0x1c: {  	p1 =	slt.u32 s9, $0xF7A;
	s5 =	simm.s32 @!p2 $0x0  }
0x1d: {  	s5 =	simm.s32 @p1 $0x1;
	p0 =	seq.s32 s7, s2  }
0x1e: {  	s7 =	smul.u32 @!p0 $0xF7A, s2;
	p2 =	seq.s32 @!p0 s5, $0x0  }
0x1f: {  	s9 =	smul.u32 $0xF7A, s1;
	s8 =	simm.s32 @!p0 $0x1BF5;
	p2 =	por !p2, p0  }
0x20: {  	[sflag:s8] =	ssyncset.s32 @!p0 $0xFFFFF086;
	s6 =	sadd.s32 @!p0 s3, s7;
	s7 =	simm.s32 @!p0 $0x108  }
0x21: {  	s3 =	sadd.s32 s3, s9;
	s6 =	sadd.s32 @!p0 $0x88, s6;
	s7 =	simm.s32 @p2 $0x1082  }
0x22: {  	[simem:s7], [sflag:s8] =	dma.local @!p0 [hbm:s6], $0xF7A  }
0x23: {  	s9 =	sor.u32 $0xD0000000, s2;
	s6 =	simm.s32 $0x108;
	_ =	swait.ge @!p0 [sflag:s8], $0x0  }
0x24: {  	s3 =	sadd.s32 $0x88, s3;
	s6 =	simm.s32 @!p1 $0x1082;
	[sflag:s4] =	ssyncset.s32 $0xFFFFF086  }
0x25: {  	[simem:s6], [sflag:s4] =	dma.local [hbm:s3], $0xF7A  }
0x26: {  	[smem:$0x3FA0] =	sst s1;
	(tag) =	ssettag s2;
	_ =	strace s9  }
0x27: {  	s1 =	sld [smem:$0x3FB0]  }
0x28: {  	s2 =	sld [smem:$0x3FB1]  }
0x29: {  	s4 =	sld [smem:$0x3FB3]  }
0x2a: {  	p0 =	seq.s32 s5, $0x0;
	s5 =	sld [smem:$0x3FB4]  }
0x2b: {  	s6 =	sld [smem:$0x3FB5]  }
0x2c: {  	s7 =	sld [smem:$0x3FB6]  }
0x2d: {  	s3 =	simm.s32 $0x108;
	s8 =	sld [smem:$0x3FB7]  }
0x2e: {  	s3 =	simm.s32 @!p0 $0x1082;
	s9 =	sld [smem:$0x3FB8]  }
0x2f: {  	lr =	sadd.s32 s0, s3;
	s0 =	sld [smem:$0x3FAF]  }
0x30: {  	s3 =	sld [smem:$0x3FB2]  }
0x31: {  	[smem:$0x3FBB] =	sst s10  }
0x32: {  	s10 =	sld [smem:$0x3FB9];
	_ =	sdelay $0x3  }
0x33: {  	p0 =	seq.s32 s10, $0x1;
	s10 =	sld [smem:$0x3FBB];
	_ =	sdelay $0x3  }
0x34: {  	[smem:$0x3FBB] =	sst s10  }
0x35: {  	s10 =	sld [smem:$0x3FBA];
	_ =	sdelay $0x3  }
0x36: {  	p1 =	seq.s32 s10, $0x1;
	s10 =	sld [smem:$0x3FBB];
	_ =	sdelay $0x3  }
0x37: {  	[smem:$0x3FBB] =	sst s10  }
0x38: {  	s10 =	sld [smem:$0x3FBC]  }
0x39: {  	_ = 	snop;
	(pc) =	sbr.ind lr, $3  }
0x3a: {  	_ = 	snop  }
0x3b: {  	_ = 	snop  }
0x3c: {  	p2 =	seq.s32 s10, $0x1;
	s10 =	sld [smem:$0x3FBB]  }
0x3d: {  	_ =	shalt  }
0x3e: {  	_ =	shalt  }
0x3f: {  	_ =	shalt  }
0x40: {  	_ =	shalt  }
0x41: {  	_ =	shalt  }
0x42: {  	_ =	shalt  }
0x43: {  	_ =	shalt  }
0x44: {  	_ =	shalt  }
0x45: {  	_ =	shalt  }
0x46: {  	_ =	shalt  }
0x47: {  	_ =	shalt  }
0x48: {  	_ =	shalt  }
0x49: {  	_ =	shalt  }
0x4a: {  	_ =	shalt  }
0x4b: {  	_ =	shalt  }
0x4c: {  	_ =	shalt  }
0x4d: {  	_ =	shalt  }
0x4e: {  	_ =	shalt  }
0x4f: {  	_ =	shalt  }
0x50: {  	_ =	shalt  }
0x51: {  	_ =	shalt  }
0x52: {  	_ =	shalt  }
0x53: {  	_ =	shalt  }
0x54: {  	_ =	shalt  }
0x55: {  	_ =	shalt  }
0x56: {  	_ =	shalt  }
0x57: {  	_ =	shalt  }
0x58: {  	_ =	shalt  }
0x59: {  	_ =	shalt  }
0x5a: {  	_ =	shalt  }
0x5b: {  	_ =	shalt  }
0x5c: {  	_ =	shalt  }
0x5d: {  	_ =	shalt  }
0x5e: {  	_ =	shalt  }
0x5f: {  	_ =	shalt  }
0x60: {  	_ =	shalt  }
0x61: {  	_ =	shalt  }
0x62: {  	_ =	shalt  }
0x63: {  	_ =	shalt  }
0x64: {  	_ =	shalt  }
0x65: {  	_ =	shalt  }
0x66: {  	_ =	shalt  }
0x67: {  	_ =	shalt  }
0x68: {  	_ =	shalt  }
0x69: {  	_ =	shalt  }
0x6a: {  	_ =	shalt  }
0x6b: {  	_ =	shalt  }
0x6c: {  	_ =	shalt  }
0x6d: {  	_ =	shalt  }
0x6e: {  	_ =	shalt  }
0x6f: {  	_ =	shalt  }
0x70: {  	_ =	shalt  }
0x71: {  	_ =	shalt  }
0x72: {  	_ =	shalt  }
0x73: {  	_ =	shalt  }
0x74: {  	_ =	shalt  }
0x75: {  	_ =	shalt  }
0x76: {  	_ =	shalt  }
0x77: {  	_ =	shalt  }
0x78: {  	_ =	shalt  }
0x79: {  	_ =	shalt  }
0x7a: {  	_ =	shalt  }
0x7b: {  	_ =	shalt  }
0x7c: {  	_ =	shalt  }
0x7d: {  	_ =	shalt  }
0x7e: {  	_ =	shalt  }
0x7f: {  	_ =	shalt  }
0x80: {  	_ =	shalt  }
0x81: {  	_ =	shalt  }
0x82: {  	_ =	shalt  }
0x83: {  	_ =	shalt  }
0x84: {  	_ =	shalt  }
0x85: {  	_ =	shalt  }
0x86: {  	_ =	shalt  }
0x87: {  	_ =	shalt  }
.Lfunc_end0:
.L_simem_size_0:
called_computation_lowered:
.L_overlay_start_0:
0x88: {  	s2 =	sld [smem:$0x3FD9]  }
0x89: {  	s3 =	sld [smem:$0x3FFE];
	_ =	sdelay $0x1  }
0x8a: {  	s1 =	srdreg.scid  }
0x8b: {  	s0 =	sand.u32 $0x1, s1  }
0x8c: {  	s17 =	sshll.u32 s0, $0xA;
	s2 =	sadd.s32 s3, s2  }
0x8d: {  	s2 =	sadd.s32 s2, s17  }
0x8e: {  	[smem:$0x3FC7] =	sst s2  }
0x8f: {  	_ = 	snop  }
0x90: {  	s2 =	sld [smem:$0x3FD0];
	(tm) =	ssettm $0x1  }
0x91: {  	s18 =	sld [smem:$0x3FFB];
	_ =	sdelay $0x3  }
0x92: {  	_ =	strace s18  }
0x93: {  	s3 =	sld [smem:$0x3FFC];
	_ =	sdelay $0x3  }
0x94: {  	_ =	strace s3  }
0x95: {  	s3 =	sld [smem:$0x3FFD];
	_ =	sdelay $0x3  }
0x96: {  	_ =	strace s3  }
0x97: {  	_ =	strace $0x8FFFFFFF  }
0x98: {  	s19 =	sld [smem:$0x3FDB];
	_ =	sdelay $0x1  }
0x99: {  	s4 =	simm.s32 $_scs_section_size  }
0x9a: {  	s5 =	simm.s32 $_size__tile_overlayer_lowered;
	s6 =	simm.s32 $_tile_overlayer_lowered  }
0x9b: {  	s22 =	simm.s32 $0x1BFF;
	s21 =	sshll.u32 s6, $0x1;
	s3 =	sadd.s32 s4, s19  }
0x9c: {  	s7 =	simm.s32 $0x0;
	s20 =	sshll.u32 s5, $0x1;
	s5 =	sadd.s32 s21, s3  }
0x9d: {  	[timem:s7], [sflag:s22] =	dma.local [hbm:s5], s20  }
0x9e: {  	_ =	swait.ge [sflag:s22], s20  }
0x9f: {  	s4 =	ssub.s32 $0x0, s20;
	[sflag:s22] =	ssyncset.done $0x0  }
0xa0: {  	[sflag:s22] =	ssyncadd.s32 s4;
	_ =	sdelay $0x1  }
0xa1: {  	s23 =	simm.s32 $0x1B8B  }
0xa2: {  	_ =	swait.ge [sflag:s23], $0x1  }
0xa3: {  	[sflag:s23] =	ssyncset.done $0x0  }
0xa4: {  	s25 =	simm.s32 $0x1B8E;
	s24 =	sld [smem:$0x3FFE];
	[sflag:s23] =	ssyncadd.s32 $0xFFFFFFFF  }
0xa5: {  	s26 =	simm.s32 $execute0_lowered;
	[smem:$0x3FD2] =	sst s25  }
0xa6: {  	s5 =	sshll.u32 s26, $0x1;
	_ =	strace $0x80000046;
	[dreg:$0x1] =	wrdreg $0xFFFFFFFF  }
0xa7: {  	s28 =	simm.s32 $_size_execute0_lowered;
	s3 =	sadd.s32 s3, s5;
	[dreg:$0x0] =	wrdreg $0x0  }
0xa8: {  	s5 =	sshll.u32 s28, $0x1;
	[dreg:$0x2] =	wrdreg s3  }
0xa9: {  	[dreg:$0x3] =	wrdreg s5  }
0xaa: {  	[dreg:$0x4] =	wrdreg $0xC0  }
0xab: {  	_ =	task [dreg:s7], $0x5FFFF  }
0xac: {  	[dreg:$0x1] =	wrdreg $0xFFFFFFFF  }
0xad: {  	[dreg:$0x0] =	wrdreg $0x60  }
0xae: {  	[dreg:$0x2] =	wrdreg s24  }
0xaf: {  	[dreg:$0x3] =	wrdreg s2  }
0xb0: {  	[dreg:$0x4] =	wrdreg $0x43000  }
0xb1: {  	[dreg:$0x5] =	wrdreg $0x9  }
0xb2: {  	_ =	task.clear_ibuf [dreg:s7], $0x6FFFF;
	_ =	strace $0x90000046  }
0xb3: {  	s29 =	simm.s32 $0x9;
	_ =	strace $0x80000048  }
0xb4: {  	_ =	swait.ge [sflag:s29], $0x1  }
0xb5: {  	[sflag:s29] =	ssyncadd.s32 $0xFFFFFFFF  }
0xb6: {  	_ =	strace $0x90000048  }
0xb7: {  	_ =	sfence  }
0xb8: {  	s30 =	sld [smem:$0x0];
	_ =	sdelay $0x2  }
0xb9: {  	s31 =	sshll.u32 s1, $0xD;
	s1 =	sshrl.u32 s1, $0x2  }
0xba: {  	s3 =	sand.u32 $0x4000, s31;
	s1 =	sadd.s32 s1, s30  }
0xbb: {  	s0 =	sor.u32 s3, s0;
	s1 =	sshll.u32 s1, $0x11  }
0xbc: {  	s0 =	sor.u32 s1, s0  }
0xbd: {  	s0 =	sadd.s32 $0x8F2B, s0  }
0xbe: {  	[sflag:s0] =	ssyncadd.remote.s32 $0x1  }
0xbf: {  	_ =	sfence.sel $0xFFFF  }
0xc0: {  	[dreg:$0x0] =	wrdreg $0xFFFFFFFF;
	(pc) =	sbr.abs _section_cstart, $3  }
0xc1: {  	[dreg:$0x1] =	wrdreg $0xFFFFFFFF  }
0xc2: {  	_ =	task.clear_ibuf [dreg:s7], $0x2FFFF;
	_ =	strace $0x9FFFFFFF  }
0xc3: {  	(tm) =	ssettm $0x7FFFFFFF  }
tec
execute0_lowered:
.L_overlay_start_1:
0x0: {  	(tag) =	ssettag $0x1  }
0x1: {  	s4 =	rddreg [dreg:$0x0]  }
0x2: {  	s6 =	rddreg [dreg:$0x1]  }
0x3: {  	s1 =	rddreg [dreg:$0x2]  }
0x4: {  	s0 =	rddreg [dreg:$0x3];
	s2 =	simm.s32 $0x0;
	s3 =	srdreg.scid  }
0x5: {  	s12 =	simm.s32 $0x4000;
	s13 =	simm.s32 $0x2;
	s16 =	simm.s32 $0x20  }
0x6: {  	s17 =	simm.s32 $0x10;
	s18 =	simm.s32 $0x0;
	[smem:$0x7FF] =	sst s2  }
0x7: {  	s5 =	sand.u32 $0x1, s3;
	s3 =	stileid.u32;
	_ =	strace $0x80000047  }
0x8: {  	s7 =	sshll.u32 s5, $0xB;
	s8 =	ssub.s32 $0x2, s5;
	s9 =	smul.u32 $0x500, s3  }
0x9: {  	s10 =	sshll.u32 s3, $0xC;
	s11 =	smul.u32 $0xA00, s3;
	s5 =	sshll.u32 s5, $0x7  }
0xa: {  	s14 =	sshll.u32 s3, $0x6;
	s4 =	sadd.s32 s7, s4;
	s30 =	sshrl.u32 s8, $0x1  }
0xb: {  	s14 =	sor.u32 $0x1C03, s14;
	s7 =	ssub.s32 s8, s30;
	s4 =	sadd.s32 s10, s4  }
0xc: {  	s5 =	sor.u32 s5, s9;
	s31 =	sshrl.u32 s11, $0x2;
	s8 =	simm.s32 $0x4080  }
0xd: {  	s10 =	simm.s32 $0x1;
	s11 =	simm.s32 $0x50;
	s4 =	sadd.s32 $0x400, s4  }
0xe: {  	s9 =	sshrl.u32 s5, $0x3;
	s5 =	sadd.s32 s31, s1;
	s7 =	smax.u32 s7, $0x1  }
0xf: {  	v0 =	vimm.f32 $1.000000000e+00;
	v1 =	vimm.f32 $0.0e+00;
	s6 =	sadd.s32 s6, s9;
	s9 =	simm.s32 $0x3;
	s15 =	sshrl.u32 s5, $0x3  }
.LBB2_1:
0x10: {  	[tilespmem:s2], [sflag:$0x1] =	stream.linear.gather [hbm4b:s4+s2], $0x3E80, $0x38;
	[tilespmem:$0x4580] =	vst v63  }
0x11: {  	[tilespmem:$0x4000] =	vst v0  }
0x12: {  	[tilespmem:$0x4010] =	vst v0  }
0x13: {  	[tilespmem:$0x4020] =	vst v0  }
0x14: {  	[tilespmem:$0x4030] =	vst v0  }
0x15: {  	[tilespmem:$0x4040] =	vst v0  }
0x16: {  	[tilespmem:$0x4080] =	vst v1  }
0x17: {  	[tilespmem:$0x4090] =	vst v1  }
0x18: {  	[tilespmem:$0x40A0] =	vst v1  }
0x19: {  	[tilespmem:$0x40B0] =	vst v1  }
0x1a: {  	[tilespmem:$0x40C0] =	vst v1  }
0x1b: {  	[tilespmem:$0x40D0] =	vst v1  }
0x1c: {  	[tilespmem:$0x40E0] =	vst v1  }
0x1d: {  	[tilespmem:$0x40F0] =	vst v1  }
0x1e: {  	[tilespmem:$0x4100] =	vst v1  }
0x1f: {  	[tilespmem:$0x4110] =	vst v1  }
0x20: {  	[tilespmem:$0x4120] =	vst v1  }
0x21: {  	[tilespmem:$0x4130] =	vst v1  }
0x22: {  	[tilespmem:$0x4140] =	vst v1  }
0x23: {  	[tilespmem:$0x4150] =	vst v1  }
0x24: {  	[tilespmem:$0x4160] =	vst v1  }
0x25: {  	[tilespmem:$0x4170] =	vst v1  }
0x26: {  	[tilespmem:$0x4180] =	vst v1  }
0x27: {  	[tilespmem:$0x4190] =	vst v1  }
0x28: {  	[tilespmem:$0x41A0] =	vst v1  }
0x29: {  	[tilespmem:$0x41B0] =	vst v1  }
0x2a: {  	[tilespmem:$0x41C0] =	vst v1  }
0x2b: {  	[tilespmem:$0x41D0] =	vst v1  }
0x2c: {  	[tilespmem:$0x41E0] =	vst v1  }
0x2d: {  	[tilespmem:$0x41F0] =	vst v1  }
0x2e: {  	[tilespmem:$0x4200] =	vst v1  }
0x2f: {  	[tilespmem:$0x4210] =	vst v1  }
0x30: {  	[tilespmem:$0x4220] =	vst v1  }
0x31: {  	[tilespmem:$0x4230] =	vst v1  }
0x32: {  	[tilespmem:$0x4240] =	vst v1  }
0x33: {  	[tilespmem:$0x4250] =	vst v1  }
0x34: {  	[tilespmem:$0x4260] =	vst v1  }
0x35: {  	[tilespmem:$0x4270] =	vst v1  }
0x36: {  	[tilespmem:$0x4280] =	vst v1  }
0x37: {  	[tilespmem:$0x4290] =	vst v1  }
0x38: {  	[tilespmem:$0x42A0] =	vst v1  }
0x39: {  	[tilespmem:$0x42B0] =	vst v1  }
0x3a: {  	[tilespmem:$0x42C0] =	vst v1  }
0x3b: {  	[tilespmem:$0x42D0] =	vst v1  }
0x3c: {  	[tilespmem:$0x42E0] =	vst v1  }
0x3d: {  	[tilespmem:$0x42F0] =	vst v1  }
0x3e: {  	[spmem:s5] =	stream.linear.scatter [tilespmem:s8], [sflag:$0x3], $0x280, $0x38;
	[tilespmem:$0x4580] =	vst v63  }
0x3f: {  	_ =	swait.ge [sflag:s9], $0x280  }
0x40: {  	[sflag:s9] =	ssyncset.done $0x0  }
0x41: {  	[sflag:s9] =	ssyncadd.s32 $0xFFFFFD80  }
0x42: {  	_ =	swait.ge [sflag:s10], $0x3E80  }
0x43: {  	[sflag:s10] =	ssyncset.done $0x0  }
0x44: {  	[sflag:s10] =	ssyncadd.s32 $0xFFFFC180  }
0x45: {  	s19 =	simm.s32 $0x0;
	[bflag:$0x0] =	sbarrier.arrive $0xFFFF  }
0x46: {  	[spmem:s1] =	stream.indirect.scatter.add.f32 [tilespmem:s12], [sflag:$0x2], $0x1, s19, s11, $0xb8;
	[tilespmem:$0x4580] =	vst v63  }
0x47: {  	s28 =	simm.s32 $0x80  }
0x48: {  	[spmem:s1] =	stream.indirect.scatter.add.f32 [tilespmem:s12], [sflag:$0x2], $0x1, s28, s11, $0xb8;
	[tilespmem:$0x4580] =	vst v63  }
0x49: {  	s29 =	simm.s32 $0x100  }
0x4a: {  	[spmem:s1] =	stream.indirect.scatter.add.f32 [tilespmem:s12], [sflag:$0x2], $0x1, s29, s11, $0xb8;
	[tilespmem:$0x4580] =	vst v63  }
0x4b: {  	s30 =	simm.s32 $0x180  }
0x4c: {  	[spmem:s1] =	stream.indirect.scatter.add.f32 [tilespmem:s12], [sflag:$0x2], $0x1, s30, s11, $0xb8;
	[tilespmem:$0x4580] =	vst v63  }
0x4d: {  	s31 =	simm.s32 $0x200  }
0x4e: {  	[spmem:s1] =	stream.indirect.scatter.add.f32 [tilespmem:s12], [sflag:$0x2], $0x1, s31, s11, $0xb8;
	[tilespmem:$0x4580] =	vst v63  }
0x4f: {  	_ =	swait.ge [sflag:s13], $0x50  }
0x50: {  	[sflag:s13] =	ssyncset.done $0x0  }
0x51: {  	[sflag:s13] =	ssyncadd.s32 $0xFFFFFFB0  }
0x52: {  	_ =	swait.ge [sflag:s13], $0x50  }
0x53: {  	[sflag:s13] =	ssyncset.done $0x0  }
0x54: {  	[sflag:s13] =	ssyncadd.s32 $0xFFFFFFB0  }
0x55: {  	_ =	swait.ge [sflag:s13], $0x50  }
0x56: {  	[sflag:s13] =	ssyncset.done $0x0  }
0x57: {  	[sflag:s13] =	ssyncadd.s32 $0xFFFFFFB0  }
0x58: {  	_ =	swait.ge [sflag:s13], $0x50  }
0x59: {  	[sflag:s13] =	ssyncset.done $0x0  }
0x5a: {  	[sflag:s13] =	ssyncadd.s32 $0xFFFFFFB0  }
0x5b: {  	_ =	swait.ge [sflag:s13], $0x50  }
0x5c: {  	s20 =	simm.s32 $0x1400;
	s19 =	simm.s32 $0xA00;
	[sflag:s13] =	ssyncset.done $0x0  }
.LBB2_2:
0x5d: {  	s21 =	sshra.s32 s19, $0x2  }
0x5e: {  	[sflag:s13] =	ssyncadd.s32 $0xFFFFFFB0;
	s19 =	smov.u32 s20;
	s22 =	sadd.s32 $0xA00, s20  }
0x5f: {  	[spmem:s1] =	stream.indirect.scatter.add.f32 [tilespmem:s12], [sflag:$0x2], $0x1, s21, s11, $0xb8;
	[tilespmem:$0x4580] =	vst v63  }
0x60: {  	p0 =	sne.s32 s20, $0xF000;
	s20 =	sadd.s32 $0x80, s21  }
0x61: {  	[spmem:s1] =	stream.indirect.scatter.add.f32 [tilespmem:s12], [sflag:$0x2], $0x1, s20, s11, $0xb8;
	[tilespmem:$0x4580] =	vst v63  }
0x62: {  	s20 =	sadd.s32 $0x100, s21  }
0x63: {  	[spmem:s1] =	stream.indirect.scatter.add.f32 [tilespmem:s12], [sflag:$0x2], $0x1, s20, s11, $0xb8;
	[tilespmem:$0x4580] =	vst v63  }
0x64: {  	s20 =	sadd.s32 $0x180, s21  }
0x65: {  	[spmem:s1] =	stream.indirect.scatter.add.f32 [tilespmem:s12], [sflag:$0x2], $0x1, s20, s11, $0xb8;
	[tilespmem:$0x4580] =	vst v63  }
0x66: {  	s20 =	sadd.s32 $0x200, s21  }
0x67: {  	[spmem:s1] =	stream.indirect.scatter.add.f32 [tilespmem:s12], [sflag:$0x2], $0x1, s20, s11, $0xb8;
	[tilespmem:$0x4580] =	vst v63  }
0x68: {  	_ =	swait.ge [sflag:s13], $0x50  }
0x69: {  	[sflag:s13] =	ssyncset.done $0x0  }
0x6a: {  	[sflag:s13] =	ssyncadd.s32 $0xFFFFFFB0  }
0x6b: {  	_ =	swait.ge [sflag:s13], $0x50  }
0x6c: {  	[sflag:s13] =	ssyncset.done $0x0  }
0x6d: {  	[sflag:s13] =	ssyncadd.s32 $0xFFFFFFB0  }
0x6e: {  	_ =	swait.ge [sflag:s13], $0x50  }
0x6f: {  	[sflag:s13] =	ssyncset.done $0x0  }
0x70: {  	[sflag:s13] =	ssyncadd.s32 $0xFFFFFFB0  }
.Ltmp0:
0x71: {  	_ =	swait.ge [sflag:s13], $0x50;
	(pc) =	sbr.rel @p0 .LBB2_2-.Ltmp0, $4  }
0x72: {  	[sflag:s13] =	ssyncset.done $0x0  }
0x73: {  	[sflag:s13] =	ssyncadd.s32 $0xFFFFFFB0  }
0x74: {  	_ =	swait.ge [sflag:s13], $0x50  }
0x75: {  	s20 =	smov.u32 s22;
	[sflag:s13] =	ssyncset.done $0x0  }
0x76: {  	s19 =	sshra.s32 s19, $0x2;
	[sflag:s13] =	ssyncadd.s32 $0xFFFFFFB0  }
0x77: {  	[spmem:s1] =	stream.indirect.scatter.add.f32 [tilespmem:s12], [sflag:$0x2], $0x1, s19, s11, $0xb8;
	[tilespmem:$0x4580] =	vst v63  }
0x78: {  	s20 =	sadd.s32 $0x80, s19  }
0x79: {  	[spmem:s1] =	stream.indirect.scatter.add.f32 [tilespmem:s12], [sflag:$0x2], $0x1, s20, s11, $0xb8;
	[tilespmem:$0x4580] =	vst v63  }
0x7a: {  	s30 =	sadd.s32 $0x100, s19  }
0x7b: {  	[spmem:s1] =	stream.indirect.scatter.add.f32 [tilespmem:s12], [sflag:$0x2], $0x1, s30, s11, $0xb8;
	[tilespmem:$0x4580] =	vst v63  }
0x7c: {  	s31 =	sadd.s32 $0x180, s19  }
0x7d: {  	[spmem:s1] =	stream.indirect.scatter.add.f32 [tilespmem:s12], [sflag:$0x2], $0x1, s31, s11, $0xb8;
	[tilespmem:$0x4580] =	vst v63  }
0x7e: {  	s19 =	sadd.s32 $0x200, s19  }
0x7f: {  	[spmem:s1] =	stream.indirect.scatter.add.f32 [tilespmem:s12], [sflag:$0x2], $0x1, s19, s11, $0xb8;
	[tilespmem:$0x4580] =	vst v63  }
0x80: {  	_ =	swait.ge [sflag:s13], $0x50  }
0x81: {  	[sflag:s13] =	ssyncset.done $0x0  }
0x82: {  	[sflag:s13] =	ssyncadd.s32 $0xFFFFFFB0  }
0x83: {  	_ =	swait.ge [sflag:s13], $0x50  }
0x84: {  	[sflag:s13] =	ssyncset.done $0x0  }
0x85: {  	[sflag:s13] =	ssyncadd.s32 $0xFFFFFFB0  }
0x86: {  	_ =	swait.ge [sflag:s13], $0x50  }
0x87: {  	[sflag:s13] =	ssyncset.done $0x0  }
0x88: {  	[sflag:s13] =	ssyncadd.s32 $0xFFFFFFB0  }
0x89: {  	_ =	swait.ge [sflag:s13], $0x50  }
0x8a: {  	[sflag:s13] =	ssyncset.done $0x0  }
0x8b: {  	[sflag:s13] =	ssyncadd.s32 $0xFFFFFFB0  }
0x8c: {  	_ =	swait.ge [sflag:s13], $0x50  }
0x8d: {  	s18 =	sadd.s32 $0x1, s18;
	[sflag:s13] =	ssyncset.done $0x0  }
0x8e: {  	p0 =	sne.s32 s18, s7;
	[sflag:s13] =	ssyncadd.s32 $0xFFFFFFB0  }
.Ltmp1:
0x8f: {  	[bflag:$0x0] =	sbarrier.arrive $0xFFFF;
	(pc) =	sbr.rel @p0 .LBB2_1-.Ltmp1, $4  }
0x90: {  	[hbm:s6@s16], [sflag:s14] =	dma.strided [spmem:s15@s17], $0x50, s10, $0x10   }
0x91: {  	_ =	swait.ge [sflag:s9], $0x50  }
0x92: {  	[sflag:s9] =	ssyncset.done $0x0  }
0x93: {  	[sflag:s9] =	ssyncadd.s32 $0xFFFFFFB0  }
0x94: {  	_ =	sfence.sel $0x180000  }
0x95: {  	[bflag:$0x0] =	sbarrier.arrive $0xFFFF  }
0x96: {  	p0 =	sne.s32 s3, $0x0;
	_ =	strace $0x90000047  }
0x97: {  	s0 =	sadd.s32 @!p0 $0x100000, s0;
	[bflag:$0x2] =	sbarrier.arrive $0xFFFF  }
0x98: {  	[sflag:s0] =	ssyncadd.tile.s32 @!p0 $0x1;
	_ =	shalt  }
.Lfunc_end2:
_tile_overlayer_lowered:
.L_overlay_start_2:
0x99: {  	(tag) =	ssettag $0x2  }
0x9a: {  	s0 =	rddreg [dreg:$0x0];
	s2 =	stileid.u32  }
0x9b: {  	s1 =	rddreg [dreg:$0x1];
	p0 =	sne.s32 s2, $0x0  }
0x9c: {  	s3 =	rddreg [dreg:$0x2];
	[bflag:$0x3] =	sbarrier.arrive $0xFFFF;
	s2 =	simm.s32 @!p0 $0x1C03  }
0x9d: {  	[timem:s3], [sflag:s2] =	dma.local @!p0 [hbm:s0], s1  }
0x9e: {  	s0 =	simm.s32 @!p0 $0x3  }
0x9f: {  	_ =	swait.ge @!p0 [sflag:s0], s1  }
0xa0: {  	s1 =	ssub.s32 @!p0 $0x0, s1;
	[sflag:s0] =	ssyncset.done @!p0 $0x0  }
0xa1: {  	[sflag:s0] =	ssyncadd.s32 @!p0 s1  }
0xa2: {  	[bflag:$0x3] =	sbarrier.arrive $0xFFFF  }
0xa3: {  	_ =	shalt  }

</sc_bundles>
